<compile_context>
chip_gen: v7x
topology: tpu7x:2x2x1
jax: 0.10.2.dev20260603
libtpu: 0.0.44.dev20260713+nightly
codegen_flags: <defaults>
</compile_context>

<pallas_src>
import functools

import jax
import jax.numpy as jnp
from jax import lax
from jax.experimental import pallas as pl
from jax.experimental.pallas import tpu as pltpu
from jax.experimental.pallas import tpu_sc as plsc

INPUT_DIM = 49152
EMBED_DIM = 128
N_IDX = 819200

NC = 2
NS = 16
NW = NC * NS
LANES = 16

N_PER = N_IDX // NW
N_VECS = N_PER // LANES
ZERO_VECS = INPUT_DIM // LANES
UNROLL = 8


N_HALF = N_PER // 2


def _hist_body(idx_hbm, out_hbm, idx_v, counts_v, sem0, sem1):
  wid = lax.axis_index("s") * NC + lax.axis_index("c")

  cp0 = pltpu.make_async_copy(
      idx_hbm.at[pl.ds(wid * N_PER, N_HALF)], idx_v.at[pl.ds(0, N_HALF)],
      sem0)
  cp1 = pltpu.make_async_copy(
      idx_hbm.at[pl.ds(wid * N_PER + N_HALF, N_HALF)],
      idx_v.at[pl.ds(N_HALF, N_HALF)], sem1)
  cp0.start()
  cp1.start()

  zeros = jnp.zeros((LANES,), jnp.float32)
  def zbody(i, carry):
    for u in range(UNROLL):
      counts_v[pl.ds((i * UNROLL + u) * LANES, LANES)] = zeros
    return carry
  lax.fori_loop(0, ZERO_VECS // UNROLL, zbody, 0)

  ones = jnp.ones((LANES,), jnp.float32)
  BLK = UNROLL * LANES

  def load_blk(i):
    base = i * BLK
    return [idx_v[pl.ds(base + u * LANES, LANES)] for u in range(UNROLL)]

  def body(i, ivs):
    nxt = load_blk(i + 1)
    for iv in ivs:
      plsc.addupdate_scatter(counts_v, [iv], ones)
    return nxt

  HALF_ITERS = N_VECS // UNROLL // 2
  cp0.wait()
  carry = lax.fori_loop(0, HALF_ITERS - 1, body, load_blk(0))
  cp1.wait()
  carry = lax.fori_loop(HALF_ITERS - 1, N_VECS // UNROLL - 1, body, carry)
  for iv in carry:
    plsc.addupdate_scatter(counts_v, [iv], ones)

  pltpu.sync_copy(counts_v, out_hbm.at[wid])


@functools.cache
def _hist():
  return functools.partial(
      pl.kernel,
      out_type=jax.ShapeDtypeStruct((NW, INPUT_DIM), jnp.float32),
      mesh=plsc.VectorSubcoreMesh(core_axis_name="c", subcore_axis_name="s",
                                  num_cores=NC, num_subcores=NS),
      compiler_params=pltpu.CompilerParams(needs_layout_passes=False),
      scratch_types=[
          pltpu.VMEM((N_PER,), jnp.int32),
          pltpu.VMEM((INPUT_DIM,), jnp.float32),
          pltpu.SemaphoreType.DMA,
          pltpu.SemaphoreType.DMA,
      ],
  )(_hist_body)


K_BLOCKS = 4
ROW_BLK = INPUT_DIM // K_BLOCKS


def _mlp_body(p_ref, t_ref, w1_ref, b1_ref, w2_ref, b2_ref, w3_ref, b3_ref,
              out_ref, acc_ref):
  k = pl.program_id(0)

  @pl.when(k == 0)
  def _():
    acc_ref[...] = jnp.zeros_like(acc_ref)

  c = jnp.sum(p_ref[...], axis=0, keepdims=True)
  acc_ref[...] += jnp.dot(c, t_ref[...], preferred_element_type=jnp.float32,
                          precision=lax.Precision.HIGHEST)

  @pl.when(k == K_BLOCKS - 1)
  def _():
    s = acc_ref[...]
    h1 = jnp.maximum(
        jnp.dot(s, w1_ref[...], preferred_element_type=jnp.float32,
                precision=lax.Precision.HIGHEST) + b1_ref[...], 0.0)
    h2 = jnp.maximum(
        jnp.dot(h1, w2_ref[...], preferred_element_type=jnp.float32,
                precision=lax.Precision.HIGHEST) + b2_ref[...], 0.0)
    o = jnp.sum(h2 * w3_ref[...], axis=1, keepdims=True) + b3_ref[...]
    out_ref[...] = jnp.tanh(o)


def kernel(indices, table, W1, b1, W2, b2, W3, b3):
  partials = _hist()(indices)

  out = pl.pallas_call(
      _mlp_body,
      grid=(K_BLOCKS,),
      in_specs=[
          pl.BlockSpec((NW, ROW_BLK), lambda k: (0, k)),
          pl.BlockSpec((ROW_BLK, EMBED_DIM), lambda k: (k, 0)),
          pl.BlockSpec((EMBED_DIM, 32), lambda k: (0, 0)),
          pl.BlockSpec((1, 32), lambda k: (0, 0)),
          pl.BlockSpec((32, 32), lambda k: (0, 0)),
          pl.BlockSpec((1, 32), lambda k: (0, 0)),
          pl.BlockSpec((1, 32), lambda k: (0, 0)),
          pl.BlockSpec((1, 1), lambda k: (0, 0)),
      ],
      out_specs=pl.BlockSpec((1, 1), lambda k: (0, 0)),
      out_shape=jax.ShapeDtypeStruct((1, 1), jnp.float32),
      scratch_shapes=[pltpu.VMEM((1, EMBED_DIM), jnp.float32)],
  )(partials, table, W1, b1.reshape(1, 32), W2, b2.reshape(1, 32),
    W3.reshape(1, 32), b3.reshape(1, 1))

  return out.reshape(())

# --- scband reference (transcript-rebuilt; emitter-appended) ---
"""Pipeline reference for scband-nnuemodel-49160195670625 (READ-ONLY COPY).

The authoritative reference and input builder live on the scoring server;
editing this copy changes nothing except your own understanding.
"""

import jax, jax.numpy as jnp
import numpy as np

INPUT_DIM = 49152
EMBED_DIM = 128
N_IDX = 819200

def setup_inputs(seed: int = 0) -> dict:
    key = jax.random.key(seed)
    k_idx, k_emb, k1, k2, k3, kb1, kb2, kb3 = jax.random.split(key, 8)
    indices = jax.random.randint(k_idx, (N_IDX,), 0, INPUT_DIM, dtype=jnp.int64 if jax.config.jax_enable_x64 else jnp.int32).astype(jnp.int32)
    table = jax.random.normal(k_emb, (INPUT_DIM, EMBED_DIM), dtype=jnp.float32) * 0.01
    # Linear layers (PyTorch-style: weight [out,in] used as x @ W.T + b); store as [in,out]
    W1 = jax.random.uniform(k1, (EMBED_DIM, 32), dtype=jnp.float32, minval=-1.0, maxval=1.0) * (1.0 / np.sqrt(EMBED_DIM))
    b1 = jax.random.uniform(kb1, (32,), dtype=jnp.float32, minval=-1.0, maxval=1.0) * (1.0 / np.sqrt(EMBED_DIM))
    W2 = jax.random.uniform(k2, (32, 32), dtype=jnp.float32, minval=-1.0, maxval=1.0) * (1.0 / np.sqrt(32))
    b2 = jax.random.uniform(kb2, (32,), dtype=jnp.float32, minval=-1.0, maxval=1.0) * (1.0 / np.sqrt(32))
    W3 = jax.random.uniform(k3, (32, 1), dtype=jnp.float32, minval=-1.0, maxval=1.0) * (1.0 / np.sqrt(32))
    b3 = jax.random.uniform(kb3, (1,), dtype=jnp.float32, minval=-1.0, maxval=1.0) * (1.0 / np.sqrt(32))
    return {"indices": indices, "table": table, "W1": W1, "b1": b1, "W2": W2, "b2": b2, "W3": W3, "b3": b3}

def reference(indices, table, W1, b1, W2, b2, W3, b3):
    # embedding lookup (gather) -> [N, EMBED_DIM]
    x = jnp.take(table, indices, axis=0)
    # sum over the index dimension -> [EMBED_DIM]
    x = jnp.sum(x, axis=0)
    x = jax.nn.relu(x @ W1 + b1)
    x = jax.nn.relu(x @ W2 + b2)
    out = jnp.tanh(x @ W3 + b3)
    return jnp.squeeze(out, axis=0)

if __name__ == "__main__":
    import jax
    _d = setup_inputs()
    print(jax.jit(kernel)(*tuple(_d.values())))

</pallas_src>

<mosaic_0001>
#map = affine_map<(d0, d1) -> (0)>
#map1 = affine_map<(d0, d1) -> (0, 0)>
module attributes {stable_mosaic.version = 14 : i64} {
  func.func @_hist_body(%arg0: i32, %arg1: i32, %arg2: memref<819200xi32, #tpu.memory_space<hbm>>, %arg3: memref<32x49152xf32, #tpu.memory_space<hbm>>, %arg4: memref<25600xi32, #tpu.memory_space<vmem>>, %arg5: memref<49152xf32, #tpu.memory_space<vmem>>, %arg6: memref<!tpu.dma_semaphore, #tpu.memory_space<semaphore_mem>>, %arg7: memref<!tpu.dma_semaphore, #tpu.memory_space<semaphore_mem>>) attributes {dimension_semantics = [#tpu.dimension_semantics<core_parallel>, #tpu.dimension_semantics<subcore_parallel>], iteration_bounds = array<i64: 2, 16>, scalar_prefetch = 0 : i64, scratch_operands = 4 : i64, tpu.core_type = #tpu.core_type<sc_vector_subcore>, window_params = [{transform_indices = #map}, {transform_indices = #map1}]} {
    %mul3A = arith.constant 2 : i32
    %mul3A_0 = arith.muli %arg1, %mul3A : i32
    %add3A = arith.addi %mul3A_0, %arg0 : i32
    %mul3A_1 = arith.constant 25600 : i32
    %mul3A_2 = arith.muli %add3A, %mul3A_1 : i32
    %mul3A_3 = arith.constant 25600 : i32
    %mul3A_4 = arith.muli %add3A, %mul3A_3 : i32
    %add3A_5 = arith.constant 12800 : i32
    %add3A_6 = arith.addi %mul3A_4, %add3A_5 : i32
    %dma_start3A = arith.constant 0 : i32
    %dma_start3A_7 = tpu.memref_slice %arg4[%dma_start3A] : memref<25600xi32, #tpu.memory_space<vmem>> -> memref<12800xi32, #tpu.memory_space<vmem>>
    %dma_start3A_8 = tpu.memref_slice %arg2[%mul3A_2] : memref<819200xi32, #tpu.memory_space<hbm>> -> memref<12800xi32, #tpu.memory_space<hbm>>
    %dma_start3A_9 = arith.constant 0 : i32
    %dma_start3A_10 = tpu.memref_slice %arg4[%dma_start3A_9] : memref<25600xi32, #tpu.memory_space<vmem>> -> memref<12800xi32, #tpu.memory_space<vmem>>
    %dma_start3A_11 = tpu.memref_slice %arg2[%mul3A_2] : memref<819200xi32, #tpu.memory_space<hbm>> -> memref<12800xi32, #tpu.memory_space<hbm>>
    tpu.enqueue_dma source(%dma_start3A_11 : memref<12800xi32, #tpu.memory_space<hbm>>) target(%dma_start3A_10 : memref<12800xi32, #tpu.memory_space<vmem>>) target_semaphore(%arg6 : memref<!tpu.dma_semaphore, #tpu.memory_space<semaphore_mem>>)
    %dma_start3A_12 = arith.constant 12800 : i32
    %dma_start3A_13 = tpu.memref_slice %arg4[%dma_start3A_12] : memref<25600xi32, #tpu.memory_space<vmem>> -> memref<12800xi32, #tpu.memory_space<vmem>>
    %dma_start3A_14 = tpu.memref_slice %arg2[%add3A_6] : memref<819200xi32, #tpu.memory_space<hbm>> -> memref<12800xi32, #tpu.memory_space<hbm>>
    %dma_start3A_15 = arith.constant 12800 : i32
    %dma_start3A_16 = tpu.memref_slice %arg4[%dma_start3A_15] : memref<25600xi32, #tpu.memory_space<vmem>> -> memref<12800xi32, #tpu.memory_space<vmem>>
    %dma_start3A_17 = tpu.memref_slice %arg2[%add3A_6] : memref<819200xi32, #tpu.memory_space<hbm>> -> memref<12800xi32, #tpu.memory_space<hbm>>
    tpu.enqueue_dma source(%dma_start3A_17 : memref<12800xi32, #tpu.memory_space<hbm>>) target(%dma_start3A_16 : memref<12800xi32, #tpu.memory_space<vmem>>) target_semaphore(%arg7 : memref<!tpu.dma_semaphore, #tpu.memory_space<semaphore_mem>>)
    %broadcast_in_dim3A = arith.constant 0.000000e+00 : f32
    %broadcast_in_dim3A_18 = vector.broadcast %broadcast_in_dim3A : f32 to vector<16xf32>
    %scan3A = arith.constant 0 : i32
    %scan3A_19 = arith.constant 0 : i32
    %scan3A_20 = arith.constant 384 : i32
    %scan3A_21 = arith.addi %scan3A_19, %scan3A_20 : i32
    %scan3A_22 = arith.constant 1 : i32
    scf.for %scan3A_64 = %scan3A_19 to %scan3A_21 step %scan3A_22  : i32 {
      %mul3A_65 = arith.constant 8 : i32
      %mul3A_66 = arith.muli %scan3A_64, %mul3A_65 : i32
      %add3A_67 = arith.constant 0 : i32
      %add3A_68 = arith.addi %mul3A_66, %add3A_67 : i32
      %mul3A_69 = arith.constant 16 : i32
      %mul3A_70 = arith.muli %add3A_68, %mul3A_69 : i32
      %swap3A = arith.index_cast %mul3A_70 : i32 to index
      %swap3A_71 = tpu.vector_load %arg5[%swap3A] {strides = array<i32>} : memref<49152xf32, #tpu.memory_space<vmem>>, vector<16xf32>,
      tpu.vector_store %arg5[%swap3A], %broadcast_in_dim3A_18 {strides = array<i32>} : memref<49152xf32, #tpu.memory_space<vmem>>, vector<16xf32>,
      %mul3A_72 = arith.constant 8 : i32
      %mul3A_73 = arith.muli %scan3A_64, %mul3A_72 : i32
      %add3A_74 = arith.constant 1 : i32
      %add3A_75 = arith.addi %mul3A_73, %add3A_74 : i32
      %mul3A_76 = arith.constant 16 : i32
      %mul3A_77 = arith.muli %add3A_75, %mul3A_76 : i32
      %swap3A_78 = arith.index_cast %mul3A_77 : i32 to index
      %swap3A_79 = tpu.vector_load %arg5[%swap3A_78] {strides = array<i32>} : memref<49152xf32, #tpu.memory_space<vmem>>, vector<16xf32>,
      tpu.vector_store %arg5[%swap3A_78], %broadcast_in_dim3A_18 {strides = array<i32>} : memref<49152xf32, #tpu.memory_space<vmem>>, vector<16xf32>,
      %mul3A_80 = arith.constant 8 : i32
      %mul3A_81 = arith.muli %scan3A_64, %mul3A_80 : i32
      %add3A_82 = arith.constant 2 : i32
      %add3A_83 = arith.addi %mul3A_81, %add3A_82 : i32
      %mul3A_84 = arith.constant 16 : i32
      %mul3A_85 = arith.muli %add3A_83, %mul3A_84 : i32
      %swap3A_86 = arith.index_cast %mul3A_85 : i32 to index
      %swap3A_87 = tpu.vector_load %arg5[%swap3A_86] {strides = array<i32>} : memref<49152xf32, #tpu.memory_space<vmem>>, vector<16xf32>,
      tpu.vector_store %arg5[%swap3A_86], %broadcast_in_dim3A_18 {strides = array<i32>} : memref<49152xf32, #tpu.memory_space<vmem>>, vector<16xf32>,
      %mul3A_88 = arith.constant 8 : i32
      %mul3A_89 = arith.muli %scan3A_64, %mul3A_88 : i32
      %add3A_90 = arith.constant 3 : i32
      %add3A_91 = arith.addi %mul3A_89, %add3A_90 : i32
      %mul3A_92 = arith.constant 16 : i32
      %mul3A_93 = arith.muli %add3A_91, %mul3A_92 : i32
      %swap3A_94 = arith.index_cast %mul3A_93 : i32 to index
      %swap3A_95 = tpu.vector_load %arg5[%swap3A_94] {strides = array<i32>} : memref<49152xf32, #tpu.memory_space<vmem>>, vector<16xf32>,
      tpu.vector_store %arg5[%swap3A_94], %broadcast_in_dim3A_18 {strides = array<i32>} : memref<49152xf32, #tpu.memory_space<vmem>>, vector<16xf32>,
      %mul3A_96 = arith.constant 8 : i32
      %mul3A_97 = arith.muli %scan3A_64, %mul3A_96 : i32
      %add3A_98 = arith.constant 4 : i32
      %add3A_99 = arith.addi %mul3A_97, %add3A_98 : i32
      %mul3A_100 = arith.constant 16 : i32
      %mul3A_101 = arith.muli %add3A_99, %mul3A_100 : i32
      %swap3A_102 = arith.index_cast %mul3A_101 : i32 to index
      %swap3A_103 = tpu.vector_load %arg5[%swap3A_102] {strides = array<i32>} : memref<49152xf32, #tpu.memory_space<vmem>>, vector<16xf32>,
      tpu.vector_store %arg5[%swap3A_102], %broadcast_in_dim3A_18 {strides = array<i32>} : memref<49152xf32, #tpu.memory_space<vmem>>, vector<16xf32>,
      %mul3A_104 = arith.constant 8 : i32
      %mul3A_105 = arith.muli %scan3A_64, %mul3A_104 : i32
      %add3A_106 = arith.constant 5 : i32
      %add3A_107 = arith.addi %mul3A_105, %add3A_106 : i32
      %mul3A_108 = arith.constant 16 : i32
      %mul3A_109 = arith.muli %add3A_107, %mul3A_108 : i32
      %swap3A_110 = arith.index_cast %mul3A_109 : i32 to index
      %swap3A_111 = tpu.vector_load %arg5[%swap3A_110] {strides = array<i32>} : memref<49152xf32, #tpu.memory_space<vmem>>, vector<16xf32>,
      tpu.vector_store %arg5[%swap3A_110], %broadcast_in_dim3A_18 {strides = array<i32>} : memref<49152xf32, #tpu.memory_space<vmem>>, vector<16xf32>,
      %mul3A_112 = arith.constant 8 : i32
      %mul3A_113 = arith.muli %scan3A_64, %mul3A_112 : i32
      %add3A_114 = arith.constant 6 : i32
      %add3A_115 = arith.addi %mul3A_113, %add3A_114 : i32
      %mul3A_116 = arith.constant 16 : i32
      %mul3A_117 = arith.muli %add3A_115, %mul3A_116 : i32
      %swap3A_118 = arith.index_cast %mul3A_117 : i32 to index
      %swap3A_119 = tpu.vector_load %arg5[%swap3A_118] {strides = array<i32>} : memref<49152xf32, #tpu.memory_space<vmem>>, vector<16xf32>,
      tpu.vector_store %arg5[%swap3A_118], %broadcast_in_dim3A_18 {strides = array<i32>} : memref<49152xf32, #tpu.memory_space<vmem>>, vector<16xf32>,
      %mul3A_120 = arith.constant 8 : i32
      %mul3A_121 = arith.muli %scan3A_64, %mul3A_120 : i32
      %add3A_122 = arith.constant 7 : i32
      %add3A_123 = arith.addi %mul3A_121, %add3A_122 : i32
      %mul3A_124 = arith.constant 16 : i32
      %mul3A_125 = arith.muli %add3A_123, %mul3A_124 : i32
      %swap3A_126 = arith.index_cast %mul3A_125 : i32 to index
      %swap3A_127 = tpu.vector_load %arg5[%swap3A_126] {strides = array<i32>} : memref<49152xf32, #tpu.memory_space<vmem>>, vector<16xf32>,
      tpu.vector_store %arg5[%swap3A_126], %broadcast_in_dim3A_18 {strides = array<i32>} : memref<49152xf32, #tpu.memory_space<vmem>>, vector<16xf32>,
    }
    %scan3A_23 = arith.constant 384 : i32
    %broadcast_in_dim3A_24 = arith.constant 1.000000e+00 : f32
    %broadcast_in_dim3A_25 = vector.broadcast %broadcast_in_dim3A_24 : f32 to vector<16xf32>
    %dma_wait3A = arith.constant 0 : i32
    %dma_wait3A_26 = tpu.memref_slice %arg4[%dma_wait3A] : memref<25600xi32, #tpu.memory_space<vmem>> -> memref<12800xi32, #tpu.memory_space<vmem>>
    %dma_wait3A_27 = tpu.memref_slice %arg2[%mul3A_2] : memref<819200xi32, #tpu.memory_space<hbm>> -> memref<12800xi32, #tpu.memory_space<hbm>>
    %dma_wait3A_28 = arith.constant 0 : i32
    %dma_wait3A_29 = tpu.memref_slice %arg4[%dma_wait3A_28] : memref<25600xi32, #tpu.memory_space<vmem>> -> memref<12800xi32, #tpu.memory_space<vmem>>
    %dma_wait3A_30 = tpu.memref_slice %arg2[%mul3A_2] : memref<819200xi32, #tpu.memory_space<hbm>> -> memref<12800xi32, #tpu.memory_space<hbm>>
    tpu.wait_dma2 semaphore(%arg6 : memref<!tpu.dma_semaphore, #tpu.memory_space<semaphore_mem>>) src(%dma_wait3A_30 : memref<12800xi32, #tpu.memory_space<hbm>>) dst(%dma_wait3A_29 : memref<12800xi32, #tpu.memory_space<vmem>>)
    %get3A = arith.constant 0 : index
    %get3A_31 = tpu.vector_load %arg4[%get3A] {strides = array<i32>} : memref<25600xi32, #tpu.memory_space<vmem>>, vector<16xi32>,
    %get3A_32 = arith.constant 16 : index
    %get3A_33 = tpu.vector_load %arg4[%get3A_32] {strides = array<i32>} : memref<25600xi32, #tpu.memory_space<vmem>>, vector<16xi32>,
    %get3A_34 = arith.constant 32 : index
    %get3A_35 = tpu.vector_load %arg4[%get3A_34] {strides = array<i32>} : memref<25600xi32, #tpu.memory_space<vmem>>, vector<16xi32>,
    %get3A_36 = arith.constant 48 : index
    %get3A_37 = tpu.vector_load %arg4[%get3A_36] {strides = array<i32>} : memref<25600xi32, #tpu.memory_space<vmem>>, vector<16xi32>,
    %get3A_38 = arith.constant 64 : index
    %get3A_39 = tpu.vector_load %arg4[%get3A_38] {strides = array<i32>} : memref<25600xi32, #tpu.memory_space<vmem>>, vector<16xi32>,
    %get3A_40 = arith.constant 80 : index
    %get3A_41 = tpu.vector_load %arg4[%get3A_40] {strides = array<i32>} : memref<25600xi32, #tpu.memory_space<vmem>>, vector<16xi32>,
    %get3A_42 = arith.constant 96 : index
    %get3A_43 = tpu.vector_load %arg4[%get3A_42] {strides = array<i32>} : memref<25600xi32, #tpu.memory_space<vmem>>, vector<16xi32>,
    %get3A_44 = arith.constant 112 : index
    %get3A_45 = tpu.vector_load %arg4[%get3A_44] {strides = array<i32>} : memref<25600xi32, #tpu.memory_space<vmem>>, vector<16xi32>,
    %scan3A_46 = arith.constant 0 : i32
    %scan3A_47 = arith.constant 99 : i32
    %scan3A_48 = arith.addi %scan3A_46, %scan3A_47 : i32
    %scan3A_49 = arith.constant 1 : i32
    %scan3A_50:8 = scf.for %scan3A_64 = %scan3A_46 to %scan3A_48 step %scan3A_49 iter_args(%scan3A_65 = %get3A_31, %scan3A_66 = %get3A_33, %scan3A_67 = %get3A_35, %scan3A_68 = %get3A_37, %scan3A_69 = %get3A_39, %scan3A_70 = %get3A_41, %scan3A_71 = %get3A_43, %scan3A_72 = %get3A_45) -> (vector<16xi32>, vector<16xi32>, vector<16xi32>, vector<16xi32>, vector<16xi32>, vector<16xi32>, vector<16xi32>, vector<16xi32>)  : i32 {
      %add3A_73 = arith.constant 1 : i32
      %add3A_74 = arith.addi %scan3A_64, %add3A_73 : i32
      %mul3A_75 = arith.constant 128 : i32
      %mul3A_76 = arith.muli %add3A_74, %mul3A_75 : i32
      %add3A_77 = arith.constant 0 : i32
      %add3A_78 = arith.addi %mul3A_76, %add3A_77 : i32
      %get3A_79 = arith.index_cast %add3A_78 : i32 to index
      %get3A_80 = tpu.vector_load %arg4[%get3A_79] {strides = array<i32>} : memref<25600xi32, #tpu.memory_space<vmem>>, vector<16xi32>,
      %add3A_81 = arith.constant 16 : i32
      %add3A_82 = arith.addi %mul3A_76, %add3A_81 : i32
      %get3A_83 = arith.index_cast %add3A_82 : i32 to index
      %get3A_84 = tpu.vector_load %arg4[%get3A_83] {strides = array<i32>} : memref<25600xi32, #tpu.memory_space<vmem>>, vector<16xi32>,
      %add3A_85 = arith.constant 32 : i32
      %add3A_86 = arith.addi %mul3A_76, %add3A_85 : i32
      %get3A_87 = arith.index_cast %add3A_86 : i32 to index
      %get3A_88 = tpu.vector_load %arg4[%get3A_87] {strides = array<i32>} : memref<25600xi32, #tpu.memory_space<vmem>>, vector<16xi32>,
      %add3A_89 = arith.constant 48 : i32
      %add3A_90 = arith.addi %mul3A_76, %add3A_89 : i32
      %get3A_91 = arith.index_cast %add3A_90 : i32 to index
      %get3A_92 = tpu.vector_load %arg4[%get3A_91] {strides = array<i32>} : memref<25600xi32, #tpu.memory_space<vmem>>, vector<16xi32>,
      %add3A_93 = arith.constant 64 : i32
      %add3A_94 = arith.addi %mul3A_76, %add3A_93 : i32
      %get3A_95 = arith.index_cast %add3A_94 : i32 to index
      %get3A_96 = tpu.vector_load %arg4[%get3A_95] {strides = array<i32>} : memref<25600xi32, #tpu.memory_space<vmem>>, vector<16xi32>,
      %add3A_97 = arith.constant 80 : i32
      %add3A_98 = arith.addi %mul3A_76, %add3A_97 : i32
      %get3A_99 = arith.index_cast %add3A_98 : i32 to index
      %get3A_100 = tpu.vector_load %arg4[%get3A_99] {strides = array<i32>} : memref<25600xi32, #tpu.memory_space<vmem>>, vector<16xi32>,
      %add3A_101 = arith.constant 96 : i32
      %add3A_102 = arith.addi %mul3A_76, %add3A_101 : i32
      %get3A_103 = arith.index_cast %add3A_102 : i32 to index
      %get3A_104 = tpu.vector_load %arg4[%get3A_103] {strides = array<i32>} : memref<25600xi32, #tpu.memory_space<vmem>>, vector<16xi32>,
      %add3A_105 = arith.constant 112 : i32
      %add3A_106 = arith.addi %mul3A_76, %add3A_105 : i32
      %get3A_107 = arith.index_cast %add3A_106 : i32 to index
      %get3A_108 = tpu.vector_load %arg4[%get3A_107] {strides = array<i32>} : memref<25600xi32, #tpu.memory_space<vmem>>, vector<16xi32>,
      tpu.vector_store_idx %arg5[%scan3A_65], %broadcast_in_dim3A_25 {add = true} : memref<49152xf32, #tpu.memory_space<vmem>>[vector<16xi32>], vector<16xf32>,
      tpu.vector_store_idx %arg5[%scan3A_66], %broadcast_in_dim3A_25 {add = true} : memref<49152xf32, #tpu.memory_space<vmem>>[vector<16xi32>], vector<16xf32>,
      tpu.vector_store_idx %arg5[%scan3A_67], %broadcast_in_dim3A_25 {add = true} : memref<49152xf32, #tpu.memory_space<vmem>>[vector<16xi32>], vector<16xf32>,
      tpu.vector_store_idx %arg5[%scan3A_68], %broadcast_in_dim3A_25 {add = true} : memref<49152xf32, #tpu.memory_space<vmem>>[vector<16xi32>], vector<16xf32>,
      tpu.vector_store_idx %arg5[%scan3A_69], %broadcast_in_dim3A_25 {add = true} : memref<49152xf32, #tpu.memory_space<vmem>>[vector<16xi32>], vector<16xf32>,
      tpu.vector_store_idx %arg5[%scan3A_70], %broadcast_in_dim3A_25 {add = true} : memref<49152xf32, #tpu.memory_space<vmem>>[vector<16xi32>], vector<16xf32>,
      tpu.vector_store_idx %arg5[%scan3A_71], %broadcast_in_dim3A_25 {add = true} : memref<49152xf32, #tpu.memory_space<vmem>>[vector<16xi32>], vector<16xf32>,
      tpu.vector_store_idx %arg5[%scan3A_72], %broadcast_in_dim3A_25 {add = true} : memref<49152xf32, #tpu.memory_space<vmem>>[vector<16xi32>], vector<16xf32>,
      scf.yield %get3A_80, %get3A_84, %get3A_88, %get3A_92, %get3A_96, %get3A_100, %get3A_104, %get3A_108 : vector<16xi32>, vector<16xi32>, vector<16xi32>, vector<16xi32>, vector<16xi32>, vector<16xi32>, vector<16xi32>, vector<16xi32>
    }
    %scan3A_51 = arith.constant 99 : i32
    %dma_wait3A_52 = arith.constant 12800 : i32
    %dma_wait3A_53 = tpu.memref_slice %arg4[%dma_wait3A_52] : memref<25600xi32, #tpu.memory_space<vmem>> -> memref<12800xi32, #tpu.memory_space<vmem>>
    %dma_wait3A_54 = tpu.memref_slice %arg2[%add3A_6] : memref<819200xi32, #tpu.memory_space<hbm>> -> memref<12800xi32, #tpu.memory_space<hbm>>
    %dma_wait3A_55 = arith.constant 12800 : i32
    %dma_wait3A_56 = tpu.memref_slice %arg4[%dma_wait3A_55] : memref<25600xi32, #tpu.memory_space<vmem>> -> memref<12800xi32, #tpu.memory_space<vmem>>
    %dma_wait3A_57 = tpu.memref_slice %arg2[%add3A_6] : memref<819200xi32, #tpu.memory_space<hbm>> -> memref<12800xi32, #tpu.memory_space<hbm>>
    tpu.wait_dma2 semaphore(%arg7 : memref<!tpu.dma_semaphore, #tpu.memory_space<semaphore_mem>>) src(%dma_wait3A_57 : memref<12800xi32, #tpu.memory_space<hbm>>) dst(%dma_wait3A_56 : memref<12800xi32, #tpu.memory_space<vmem>>)
    %scan3A_58 = arith.constant 99 : i32
    %scan3A_59 = arith.constant 100 : i32
    %scan3A_60 = arith.addi %scan3A_58, %scan3A_59 : i32
    %scan3A_61 = arith.constant 1 : i32
    %scan3A_62:8 = scf.for %scan3A_64 = %scan3A_58 to %scan3A_60 step %scan3A_61 iter_args(%scan3A_65 = %scan3A_50#0, %scan3A_66 = %scan3A_50#1, %scan3A_67 = %scan3A_50#2, %scan3A_68 = %scan3A_50#3, %scan3A_69 = %scan3A_50#4, %scan3A_70 = %scan3A_50#5, %scan3A_71 = %scan3A_50#6, %scan3A_72 = %scan3A_50#7) -> (vector<16xi32>, vector<16xi32>, vector<16xi32>, vector<16xi32>, vector<16xi32>, vector<16xi32>, vector<16xi32>, vector<16xi32>)  : i32 {
      %add3A_73 = arith.constant 1 : i32
      %add3A_74 = arith.addi %scan3A_64, %add3A_73 : i32
      %mul3A_75 = arith.constant 128 : i32
      %mul3A_76 = arith.muli %add3A_74, %mul3A_75 : i32
      %add3A_77 = arith.constant 0 : i32
      %add3A_78 = arith.addi %mul3A_76, %add3A_77 : i32
      %get3A_79 = arith.index_cast %add3A_78 : i32 to index
      %get3A_80 = tpu.vector_load %arg4[%get3A_79] {strides = array<i32>} : memref<25600xi32, #tpu.memory_space<vmem>>, vector<16xi32>,
      %add3A_81 = arith.constant 16 : i32
      %add3A_82 = arith.addi %mul3A_76, %add3A_81 : i32
      %get3A_83 = arith.index_cast %add3A_82 : i32 to index
      %get3A_84 = tpu.vector_load %arg4[%get3A_83] {strides = array<i32>} : memref<25600xi32, #tpu.memory_space<vmem>>, vector<16xi32>,
      %add3A_85 = arith.constant 32 : i32
      %add3A_86 = arith.addi %mul3A_76, %add3A_85 : i32
      %get3A_87 = arith.index_cast %add3A_86 : i32 to index
      %get3A_88 = tpu.vector_load %arg4[%get3A_87] {strides = array<i32>} : memref<25600xi32, #tpu.memory_space<vmem>>, vector<16xi32>,
      %add3A_89 = arith.constant 48 : i32
      %add3A_90 = arith.addi %mul3A_76, %add3A_89 : i32
      %get3A_91 = arith.index_cast %add3A_90 : i32 to index
      %get3A_92 = tpu.vector_load %arg4[%get3A_91] {strides = array<i32>} : memref<25600xi32, #tpu.memory_space<vmem>>, vector<16xi32>,
      %add3A_93 = arith.constant 64 : i32
      %add3A_94 = arith.addi %mul3A_76, %add3A_93 : i32
      %get3A_95 = arith.index_cast %add3A_94 : i32 to index
      %get3A_96 = tpu.vector_load %arg4[%get3A_95] {strides = array<i32>} : memref<25600xi32, #tpu.memory_space<vmem>>, vector<16xi32>,
      %add3A_97 = arith.constant 80 : i32
      %add3A_98 = arith.addi %mul3A_76, %add3A_97 : i32
      %get3A_99 = arith.index_cast %add3A_98 : i32 to index
      %get3A_100 = tpu.vector_load %arg4[%get3A_99] {strides = array<i32>} : memref<25600xi32, #tpu.memory_space<vmem>>, vector<16xi32>,
      %add3A_101 = arith.constant 96 : i32
      %add3A_102 = arith.addi %mul3A_76, %add3A_101 : i32
      %get3A_103 = arith.index_cast %add3A_102 : i32 to index
      %get3A_104 = tpu.vector_load %arg4[%get3A_103] {strides = array<i32>} : memref<25600xi32, #tpu.memory_space<vmem>>, vector<16xi32>,
      %add3A_105 = arith.constant 112 : i32
      %add3A_106 = arith.addi %mul3A_76, %add3A_105 : i32
      %get3A_107 = arith.index_cast %add3A_106 : i32 to index
      %get3A_108 = tpu.vector_load %arg4[%get3A_107] {strides = array<i32>} : memref<25600xi32, #tpu.memory_space<vmem>>, vector<16xi32>,
      tpu.vector_store_idx %arg5[%scan3A_65], %broadcast_in_dim3A_25 {add = true} : memref<49152xf32, #tpu.memory_space<vmem>>[vector<16xi32>], vector<16xf32>,
      tpu.vector_store_idx %arg5[%scan3A_66], %broadcast_in_dim3A_25 {add = true} : memref<49152xf32, #tpu.memory_space<vmem>>[vector<16xi32>], vector<16xf32>,
      tpu.vector_store_idx %arg5[%scan3A_67], %broadcast_in_dim3A_25 {add = true} : memref<49152xf32, #tpu.memory_space<vmem>>[vector<16xi32>], vector<16xf32>,
      tpu.vector_store_idx %arg5[%scan3A_68], %broadcast_in_dim3A_25 {add = true} : memref<49152xf32, #tpu.memory_space<vmem>>[vector<16xi32>], vector<16xf32>,
      tpu.vector_store_idx %arg5[%scan3A_69], %broadcast_in_dim3A_25 {add = true} : memref<49152xf32, #tpu.memory_space<vmem>>[vector<16xi32>], vector<16xf32>,
      tpu.vector_store_idx %arg5[%scan3A_70], %broadcast_in_dim3A_25 {add = true} : memref<49152xf32, #tpu.memory_space<vmem>>[vector<16xi32>], vector<16xf32>,
      tpu.vector_store_idx %arg5[%scan3A_71], %broadcast_in_dim3A_25 {add = true} : memref<49152xf32, #tpu.memory_space<vmem>>[vector<16xi32>], vector<16xf32>,
      tpu.vector_store_idx %arg5[%scan3A_72], %broadcast_in_dim3A_25 {add = true} : memref<49152xf32, #tpu.memory_space<vmem>>[vector<16xi32>], vector<16xf32>,
      scf.yield %get3A_80, %get3A_84, %get3A_88, %get3A_92, %get3A_96, %get3A_100, %get3A_104, %get3A_108 : vector<16xi32>, vector<16xi32>, vector<16xi32>, vector<16xi32>, vector<16xi32>, vector<16xi32>, vector<16xi32>, vector<16xi32>
    }
    %scan3A_63 = arith.constant 100 : i32
    tpu.vector_store_idx %arg5[%scan3A_62#0], %broadcast_in_dim3A_25 {add = true} : memref<49152xf32, #tpu.memory_space<vmem>>[vector<16xi32>], vector<16xf32>,
    tpu.vector_store_idx %arg5[%scan3A_62#1], %broadcast_in_dim3A_25 {add = true} : memref<49152xf32, #tpu.memory_space<vmem>>[vector<16xi32>], vector<16xf32>,
    tpu.vector_store_idx %arg5[%scan3A_62#2], %broadcast_in_dim3A_25 {add = true} : memref<49152xf32, #tpu.memory_space<vmem>>[vector<16xi32>], vector<16xf32>,
    tpu.vector_store_idx %arg5[%scan3A_62#3], %broadcast_in_dim3A_25 {add = true} : memref<49152xf32, #tpu.memory_space<vmem>>[vector<16xi32>], vector<16xf32>,
    tpu.vector_store_idx %arg5[%scan3A_62#4], %broadcast_in_dim3A_25 {add = true} : memref<49152xf32, #tpu.memory_space<vmem>>[vector<16xi32>], vector<16xf32>,
    tpu.vector_store_idx %arg5[%scan3A_62#5], %broadcast_in_dim3A_25 {add = true} : memref<49152xf32, #tpu.memory_space<vmem>>[vector<16xi32>], vector<16xf32>,
    tpu.vector_store_idx %arg5[%scan3A_62#6], %broadcast_in_dim3A_25 {add = true} : memref<49152xf32, #tpu.memory_space<vmem>>[vector<16xi32>], vector<16xf32>,
    tpu.vector_store_idx %arg5[%scan3A_62#7], %broadcast_in_dim3A_25 {add = true} : memref<49152xf32, #tpu.memory_space<vmem>>[vector<16xi32>], vector<16xf32>,
    "tpu.region"() ({
      %run_scoped3A = tpu.sem_alloc : memref<!tpu.dma_semaphore, #tpu.memory_space<semaphore_mem>>
      %dma_start3A_64 = arith.constant 0 : i32
      %dma_start3A_65 = tpu.memref_slice %arg3[%add3A, %dma_start3A_64] : memref<32x49152xf32, #tpu.memory_space<hbm>> -> memref<1x49152xf32, #tpu.memory_space<hbm>>
      %dma_start3A_66 = tpu.memref_squeeze %dma_start3A_65 : memref<1x49152xf32, #tpu.memory_space<hbm>> -> memref<49152xf32, #tpu.memory_space<hbm>>
      %dma_start3A_67 = arith.constant 0 : i32
      %dma_start3A_68 = tpu.memref_slice %arg3[%add3A, %dma_start3A_67] : memref<32x49152xf32, #tpu.memory_space<hbm>> -> memref<1x49152xf32, #tpu.memory_space<hbm>>
      %dma_start3A_69 = tpu.memref_squeeze %dma_start3A_68 : memref<1x49152xf32, #tpu.memory_space<hbm>> -> memref<49152xf32, #tpu.memory_space<hbm>>
      tpu.enqueue_dma source(%arg5 : memref<49152xf32, #tpu.memory_space<vmem>>) target(%dma_start3A_69 : memref<49152xf32, #tpu.memory_space<hbm>>) target_semaphore(%run_scoped3A : memref<!tpu.dma_semaphore, #tpu.memory_space<semaphore_mem>>)
      %dma_wait3A_70 = arith.constant 0 : i32
      %dma_wait3A_71 = tpu.memref_slice %arg3[%add3A, %dma_wait3A_70] : memref<32x49152xf32, #tpu.memory_space<hbm>> -> memref<1x49152xf32, #tpu.memory_space<hbm>>
      %dma_wait3A_72 = tpu.memref_squeeze %dma_wait3A_71 : memref<1x49152xf32, #tpu.memory_space<hbm>> -> memref<49152xf32, #tpu.memory_space<hbm>>
      %dma_wait3A_73 = arith.constant 0 : i32
      %dma_wait3A_74 = tpu.memref_slice %arg3[%add3A, %dma_wait3A_73] : memref<32x49152xf32, #tpu.memory_space<hbm>> -> memref<1x49152xf32, #tpu.memory_space<hbm>>
      %dma_wait3A_75 = tpu.memref_squeeze %dma_wait3A_74 : memref<1x49152xf32, #tpu.memory_space<hbm>> -> memref<49152xf32, #tpu.memory_space<hbm>>
      tpu.wait_dma2 semaphore(%run_scoped3A : memref<!tpu.dma_semaphore, #tpu.memory_space<semaphore_mem>>) src(%arg5 : memref<49152xf32, #tpu.memory_space<vmem>>) dst(%dma_wait3A_75 : memref<49152xf32, #tpu.memory_space<hbm>>)
      tpu.yield
    }) : () -> ()
    return
  }
}

module attributes {stable_mosaic.version = 14 : i64} {
  func.func @_mlp_body(%arg0: i32, %arg1: memref<32x12288xf32, #tpu.memory_space<vmem>>, %arg2: memref<12288x128xf32, #tpu.memory_space<vmem>>, %arg3: memref<128x32xf32, #tpu.memory_space<vmem>>, %arg4: memref<1x32xf32, #tpu.memory_space<vmem>>, %arg5: memref<32x32xf32, #tpu.memory_space<vmem>>, %arg6: memref<1x32xf32, #tpu.memory_space<vmem>>, %arg7: memref<1x32xf32, #tpu.memory_space<vmem>>, %arg8: memref<1x1xf32, #tpu.memory_space<vmem>>, %arg9: memref<1x1xf32, #tpu.memory_space<vmem>>, %arg10: memref<1x128xf32, #tpu.memory_space<vmem>>) attributes {dimension_semantics = [#tpu.dimension_semantics<arbitrary>], iteration_bounds = array<i64: 4>, scalar_prefetch = 0 : i64, scratch_operands = 1 : i64, tpu.core_type = #tpu.core_type<tc>, window_params = [{transform_indices = @transform_0, window_bounds = array<i64: 32, 12288>}, {transform_indices = @transform_1, window_bounds = array<i64: 12288, 128>}, {pipeline_mode = #tpu.pipeline_mode<synchronous>, transform_indices = @transform_2, window_bounds = array<i64: 128, 32>}, {pipeline_mode = #tpu.pipeline_mode<synchronous>, transform_indices = @transform_3, window_bounds = array<i64: 1, 32>}, {pipeline_mode = #tpu.pipeline_mode<synchronous>, transform_indices = @transform_4, window_bounds = array<i64: 32, 32>}, {pipeline_mode = #tpu.pipeline_mode<synchronous>, transform_indices = @transform_5, window_bounds = array<i64: 1, 32>}, {pipeline_mode = #tpu.pipeline_mode<synchronous>, transform_indices = @transform_6, window_bounds = array<i64: 1, 32>}, {pipeline_mode = #tpu.pipeline_mode<synchronous>, transform_indices = @transform_7, window_bounds = array<i64: 1, 1>}, {pipeline_mode = #tpu.pipeline_mode<synchronous>, transform_indices = @transform_8, window_bounds = array<i64: 1, 1>}]} {
    %eq3A = arith.constant 0 : i32
    %eq3A_0 = arith.cmpi eq, %arg0, %eq3A : i32
    %convert_element_type3A = arith.extui %eq3A_0 : i1 to i32
    %cond3A = arith.constant 0 : i32
    %cond3A_1 = arith.cmpi ne, %convert_element_type3A, %cond3A : i32
    scf.if %cond3A_1 {
      %broadcast_in_dim3A_19 = arith.constant 0.000000e+00 : f32
      %broadcast_in_dim3A_20 = vector.broadcast %broadcast_in_dim3A_19 : f32 to vector<1x128xf32>
      %swap3A_21 = arith.constant 0 : index
      %swap3A_22 = arith.constant 0 : index
      %swap3A_23 = vector.load %arg10[%swap3A_21, %swap3A_22] : memref<1x128xf32, #tpu.memory_space<vmem>>, vector<1x128xf32>
      tpu.vector_store %arg10[%swap3A_21, %swap3A_22], %broadcast_in_dim3A_20 {strides = array<i32>} : memref<1x128xf32, #tpu.memory_space<vmem>>, vector<1x128xf32>,
    } else {
    }
    %get3A = arith.constant 0 : index
    %get3A_2 = arith.constant 0 : index
    %get3A_3 = vector.load %arg1[%get3A, %get3A_2] : memref<32x12288xf32, #tpu.memory_space<vmem>>, vector<32x12288xf32>
    %reduce_sum3A = arith.constant dense<0.000000e+00> : vector<12288xf32>
    %reduce_sum3A_4 = vector.multi_reduction <add>, %get3A_3, %reduce_sum3A [0] : vector<32x12288xf32> to vector<12288xf32>
    %broadcast_in_dim3A = vector.shape_cast %reduce_sum3A_4 : vector<12288xf32> to vector<1x12288xf32>
    %get3A_5 = arith.constant 0 : index
    %get3A_6 = arith.constant 0 : index
    %get3A_7 = vector.load %arg10[%get3A_5, %get3A_6] : memref<1x128xf32, #tpu.memory_space<vmem>>, vector<1x128xf32>
    %get3A_8 = arith.constant 0 : index
    %get3A_9 = arith.constant 0 : index
    %get3A_10 = vector.load %arg2[%get3A_8, %get3A_9] : memref<12288x128xf32, #tpu.memory_space<vmem>>, vector<12288x128xf32>
    %dot_general3A = arith.constant dense<0.000000e+00> : vector<1x128xf32>
    %dot_general3A_11 = tpu.matmul %broadcast_in_dim3A, %get3A_10, %dot_general3A {dimension_numbers = #tpu.dot_dimension_numbers<[1], [0], [0], [1], [0, 0, 1, 1], [], []>, precision = #tpu.contract_precision<fp32>, transpose_lhs_hint = false} : vector<1x12288xf32>, vector<12288x128xf32>, vector<1x128xf32> -> vector<1x128xf32>
    %add3A = arith.addf %get3A_7, %dot_general3A_11 : vector<1x128xf32>
    %swap3A = arith.constant 0 : index
    %swap3A_12 = arith.constant 0 : index
    %swap3A_13 = vector.load %arg10[%swap3A, %swap3A_12] : memref<1x128xf32, #tpu.memory_space<vmem>>, vector<1x128xf32>
    tpu.vector_store %arg10[%swap3A, %swap3A_12], %add3A {strides = array<i32>} : memref<1x128xf32, #tpu.memory_space<vmem>>, vector<1x128xf32>,
    %eq3A_14 = arith.constant 3 : i32
    %eq3A_15 = arith.cmpi eq, %arg0, %eq3A_14 : i32
    %convert_element_type3A_16 = arith.extui %eq3A_15 : i1 to i32
    %cond3A_17 = arith.constant 0 : i32
    %cond3A_18 = arith.cmpi ne, %convert_element_type3A_16, %cond3A_17 : i32
    scf.if %cond3A_18 {
      %get3A_19 = arith.constant 0 : index
      %get3A_20 = arith.constant 0 : index
      %get3A_21 = vector.load %arg10[%get3A_19, %get3A_20] : memref<1x128xf32, #tpu.memory_space<vmem>>, vector<1x128xf32>
      %get3A_22 = arith.constant 0 : index
      %get3A_23 = arith.constant 0 : index
      %get3A_24 = vector.load %arg3[%get3A_22, %get3A_23] : memref<128x32xf32, #tpu.memory_space<vmem>>, vector<128x32xf32>
      %dot_general3A_25 = arith.constant dense<0.000000e+00> : vector<1x32xf32>
      %dot_general3A_26 = tpu.matmul %get3A_21, %get3A_24, %dot_general3A_25 {dimension_numbers = #tpu.dot_dimension_numbers<[1], [0], [0], [1], [0, 0, 1, 1], [], []>, precision = #tpu.contract_precision<fp32>, transpose_lhs_hint = false} : vector<1x128xf32>, vector<128x32xf32>, vector<1x32xf32> -> vector<1x32xf32>
      %get3A_27 = arith.constant 0 : index
      %get3A_28 = arith.constant 0 : index
      %get3A_29 = vector.load %arg4[%get3A_27, %get3A_28] : memref<1x32xf32, #tpu.memory_space<vmem>>, vector<1x32xf32>
      %add3A_30 = arith.addf %dot_general3A_26, %get3A_29 : vector<1x32xf32>
      %max3A = arith.constant 0.000000e+00 : f32
      %max3A_31 = vector.broadcast %max3A : f32 to vector<1x32xf32>
      %max3A_32 = arith.maximumf %add3A_30, %max3A_31 : vector<1x32xf32>
      %get3A_33 = arith.constant 0 : index
      %get3A_34 = arith.constant 0 : index
      %get3A_35 = vector.load %arg5[%get3A_33, %get3A_34] : memref<32x32xf32, #tpu.memory_space<vmem>>, vector<32x32xf32>
      %dot_general3A_36 = arith.constant dense<0.000000e+00> : vector<1x32xf32>
      %dot_general3A_37 = tpu.matmul %max3A_32, %get3A_35, %dot_general3A_36 {dimension_numbers = #tpu.dot_dimension_numbers<[1], [0], [0], [1], [0, 0, 1, 1], [], []>, precision = #tpu.contract_precision<fp32>, transpose_lhs_hint = false} : vector<1x32xf32>, vector<32x32xf32>, vector<1x32xf32> -> vector<1x32xf32>
      %get3A_38 = arith.constant 0 : index
      %get3A_39 = arith.constant 0 : index
      %get3A_40 = vector.load %arg6[%get3A_38, %get3A_39] : memref<1x32xf32, #tpu.memory_space<vmem>>, vector<1x32xf32>
      %add3A_41 = arith.addf %dot_general3A_37, %get3A_40 : vector<1x32xf32>
      %max3A_42 = arith.constant 0.000000e+00 : f32
      %max3A_43 = vector.broadcast %max3A_42 : f32 to vector<1x32xf32>
      %max3A_44 = arith.maximumf %add3A_41, %max3A_43 : vector<1x32xf32>
      %get3A_45 = arith.constant 0 : index
      %get3A_46 = arith.constant 0 : index
      %get3A_47 = vector.load %arg7[%get3A_45, %get3A_46] : memref<1x32xf32, #tpu.memory_space<vmem>>, vector<1x32xf32>
      %mul3A = arith.mulf %max3A_44, %get3A_47 : vector<1x32xf32>
      %reduce_sum3A_48 = arith.constant dense<0.000000e+00> : vector<1xf32>
      %reduce_sum3A_49 = vector.multi_reduction <add>, %mul3A, %reduce_sum3A_48 [1] : vector<1x32xf32> to vector<1xf32>
      %broadcast_in_dim3A_50 = vector.shape_cast %reduce_sum3A_49 : vector<1xf32> to vector<1x1xf32>
      %get3A_51 = arith.constant 0 : index
      %get3A_52 = arith.constant 0 : index
      %get3A_53 = vector.load %arg8[%get3A_51, %get3A_52] : memref<1x1xf32, #tpu.memory_space<vmem>>, vector<1x1xf32>
      %add3A_54 = arith.addf %broadcast_in_dim3A_50, %get3A_53 : vector<1x1xf32>
      %tanh3A = math.tanh %add3A_54 : vector<1x1xf32>
      %swap3A_55 = arith.constant 0 : index
      %swap3A_56 = arith.constant 0 : index
      %swap3A_57 = vector.load %arg9[%swap3A_55, %swap3A_56] : memref<1x1xf32, #tpu.memory_space<vmem>>, vector<1x1xf32>
      tpu.vector_store %arg9[%swap3A_55, %swap3A_56], %tanh3A {strides = array<i32>} : memref<1x1xf32, #tpu.memory_space<vmem>>, vector<1x1xf32>,
    } else {
    }
    return
  }
  func.func @transform_0(%arg0: i32) -> (i32, i32) {
    %c0_i32 = arith.constant 0 : i32
    %c0_i32_0 = arith.constant 0 : i32
    return %c0_i32, %arg0 : i32, i32
  }
  func.func @transform_1(%arg0: i32) -> (i32, i32) {
    %c0_i32 = arith.constant 0 : i32
    %c0_i32_0 = arith.constant 0 : i32
    return %arg0, %c0_i32 : i32, i32
  }
  func.func @transform_2(%arg0: i32) -> (i32, i32) {
    %c0_i32 = arith.constant 0 : i32
    %c0_i32_0 = arith.constant 0 : i32
    %c0_i32_1 = arith.constant 0 : i32
    return %c0_i32, %c0_i32_0 : i32, i32
  }
  func.func @transform_3(%arg0: i32) -> (i32, i32) {
    %c0_i32 = arith.constant 0 : i32
    %c0_i32_0 = arith.constant 0 : i32
    %c0_i32_1 = arith.constant 0 : i32
    return %c0_i32, %c0_i32_0 : i32, i32
  }
  func.func @transform_4(%arg0: i32) -> (i32, i32) {
    %c0_i32 = arith.constant 0 : i32
    %c0_i32_0 = arith.constant 0 : i32
    %c0_i32_1 = arith.constant 0 : i32
    return %c0_i32, %c0_i32_0 : i32, i32
  }
  func.func @transform_5(%arg0: i32) -> (i32, i32) {
    %c0_i32 = arith.constant 0 : i32
    %c0_i32_0 = arith.constant 0 : i32
    %c0_i32_1 = arith.constant 0 : i32
    return %c0_i32, %c0_i32_0 : i32, i32
  }
  func.func @transform_6(%arg0: i32) -> (i32, i32) {
    %c0_i32 = arith.constant 0 : i32
    %c0_i32_0 = arith.constant 0 : i32
    %c0_i32_1 = arith.constant 0 : i32
    return %c0_i32, %c0_i32_0 : i32, i32
  }
  func.func @transform_7(%arg0: i32) -> (i32, i32) {
    %c0_i32 = arith.constant 0 : i32
    %c0_i32_0 = arith.constant 0 : i32
    %c0_i32_1 = arith.constant 0 : i32
    return %c0_i32, %c0_i32_0 : i32, i32
  }
  func.func @transform_8(%arg0: i32) -> (i32, i32) {
    %c0_i32 = arith.constant 0 : i32
    %c0_i32_0 = arith.constant 0 : i32
    %c0_i32_1 = arith.constant 0 : i32
    return %c0_i32, %c0_i32_0 : i32, i32
  }
}

</mosaic_0001>

<sc_bundles>
// kernel: kernel.4.cloned.1.call-start
scs
__scs_entry_jumppad:
0x0: {  	(pc) =	sbr.rel $0x88, $3  }
0x1: {  	(tag) =	ssettag $0x0;
	lr =	simm.s32 $0x1  }
0x2: {  	[smem:$0x3F99] =	sst lr;
	_ =	strace $0xD0000000  }
0x3: {  	_ = 	snop  }
0x4: {  	_ = 	snop  }
0x5: {  	_ = 	snop  }
0x6: {  	_ = 	snop  }
0x7: {  	_ = 	snop  }
__scs_overlays_trampoline_lowered:
0x8: {  	[smem:$0x3FA8] =	sst s0  }
0x9: {  	[smem:$0x3FA9] =	sst s1  }
0xa: {  	[smem:$0x3FAA] =	sst s2  }
0xb: {  	[smem:$0x3FAB] =	sst s3  }
0xc: {  	[smem:$0x3FAC] =	sst s4  }
0xd: {  	[smem:$0x3FAD] =	sst s5  }
0xe: {  	[smem:$0x3FAE] =	sst s6  }
0xf: {  	[smem:$0x3FAF] =	sst s7  }
0x10: {  	[smem:$0x3FB0] =	sst s8  }
0x11: {  	[smem:$0x3FB1] =	sst s9;
	s0 =	simm.s32 @!p0 $0x0  }
0x12: {  	s1 =	sld [smem:$0x3F97];
	s0 =	simm.s32 @p0 $0x1  }
0x13: {  	[smem:$0x3FB2] =	sst s0;
	s0 =	simm.s32 @!p1 $0x0  }
0x14: {  	s2 =	sld [smem:$0x3F96];
	s0 =	simm.s32 @p1 $0x1  }
0x15: {  	[smem:$0x3FB3] =	sst s0;
	s0 =	simm.s32 @!p2 $0x0  }
0x16: {  	s3 =	sld [smem:$0x3FDB];
	s0 =	simm.s32 @p2 $0x1  }
0x17: {  	s4 =	simm.s32 $0x1BF5;
	[smem:$0x3FB5] =	sst s0  }
0x18: {  	s0 =	sld [smem:$0x3F98];
	_ =	swait.ge [sflag:s4], $0x0  }
0x19: {  	s7 =	sld [smem:$0x3F99]  }
0x1a: {  	s8 =	sadd.s32 $0xFFFFE003, lr  }
0x1b: {  	s9 =	sadd.s32 $0xFFFFFEF7, lr;
	s5 =	simm.s32 $0xFFFFFFFF;
	p2 =	slt.u32 s8, $0xFFFFF086  }
0x1c: {  	p1 =	slt.u32 s9, $0xF7A;
	s5 =	simm.s32 @!p2 $0x0  }
0x1d: {  	s5 =	simm.s32 @p1 $0x1;
	p0 =	seq.s32 s7, s2  }
0x1e: {  	s7 =	smul.u32 @!p0 $0xF7A, s2;
	p2 =	seq.s32 @!p0 s5, $0x0  }
0x1f: {  	s9 =	smul.u32 $0xF7A, s1;
	s8 =	simm.s32 @!p0 $0x1BF5;
	p2 =	por !p2, p0  }
0x20: {  	[sflag:s8] =	ssyncset.s32 @!p0 $0xFFFFF086;
	s6 =	sadd.s32 @!p0 s3, s7;
	s7 =	simm.s32 @!p0 $0x108  }
0x21: {  	s3 =	sadd.s32 s3, s9;
	s6 =	sadd.s32 @!p0 $0x88, s6;
	s7 =	simm.s32 @p2 $0x1082  }
0x22: {  	[simem:s7], [sflag:s8] =	dma.local @!p0 [hbm:s6], $0xF7A  }
0x23: {  	s9 =	sor.u32 $0xD0000000, s2;
	s6 =	simm.s32 $0x108;
	_ =	swait.ge @!p0 [sflag:s8], $0x0  }
0x24: {  	s3 =	sadd.s32 $0x88, s3;
	s6 =	simm.s32 @!p1 $0x1082;
	[sflag:s4] =	ssyncset.s32 $0xFFFFF086  }
0x25: {  	[simem:s6], [sflag:s4] =	dma.local [hbm:s3], $0xF7A  }
0x26: {  	[smem:$0x3F99] =	sst s1;
	(tag) =	ssettag s2;
	_ =	strace s9  }
0x27: {  	s1 =	sld [smem:$0x3FA9]  }
0x28: {  	s2 =	sld [smem:$0x3FAA]  }
0x29: {  	s4 =	sld [smem:$0x3FAC]  }
0x2a: {  	p0 =	seq.s32 s5, $0x0;
	s5 =	sld [smem:$0x3FAD]  }
0x2b: {  	s6 =	sld [smem:$0x3FAE]  }
0x2c: {  	s7 =	sld [smem:$0x3FAF]  }
0x2d: {  	s3 =	simm.s32 $0x108;
	s8 =	sld [smem:$0x3FB0]  }
0x2e: {  	s3 =	simm.s32 @!p0 $0x1082;
	s9 =	sld [smem:$0x3FB1]  }
0x2f: {  	lr =	sadd.s32 s0, s3;
	s0 =	sld [smem:$0x3FA8]  }
0x30: {  	s3 =	sld [smem:$0x3FAB]  }
0x31: {  	[smem:$0x3FB4] =	sst s10  }
0x32: {  	s10 =	sld [smem:$0x3FB2];
	_ =	sdelay $0x3  }
0x33: {  	p0 =	seq.s32 s10, $0x1;
	s10 =	sld [smem:$0x3FB4];
	_ =	sdelay $0x3  }
0x34: {  	[smem:$0x3FB4] =	sst s10  }
0x35: {  	s10 =	sld [smem:$0x3FB3];
	_ =	sdelay $0x3  }
0x36: {  	p1 =	seq.s32 s10, $0x1;
	s10 =	sld [smem:$0x3FB4];
	_ =	sdelay $0x3  }
0x37: {  	[smem:$0x3FB4] =	sst s10  }
0x38: {  	s10 =	sld [smem:$0x3FB5]  }
0x39: {  	_ = 	snop;
	(pc) =	sbr.ind lr, $3  }
0x3a: {  	_ = 	snop  }
0x3b: {  	_ = 	snop  }
0x3c: {  	p2 =	seq.s32 s10, $0x1;
	s10 =	sld [smem:$0x3FB4]  }
0x3d: {  	_ =	shalt  }
0x3e: {  	_ =	shalt  }
0x3f: {  	_ =	shalt  }
0x40: {  	_ =	shalt  }
0x41: {  	_ =	shalt  }
0x42: {  	_ =	shalt  }
0x43: {  	_ =	shalt  }
0x44: {  	_ =	shalt  }
0x45: {  	_ =	shalt  }
0x46: {  	_ =	shalt  }
0x47: {  	_ =	shalt  }
0x48: {  	_ =	shalt  }
0x49: {  	_ =	shalt  }
0x4a: {  	_ =	shalt  }
0x4b: {  	_ =	shalt  }
0x4c: {  	_ =	shalt  }
0x4d: {  	_ =	shalt  }
0x4e: {  	_ =	shalt  }
0x4f: {  	_ =	shalt  }
0x50: {  	_ =	shalt  }
0x51: {  	_ =	shalt  }
0x52: {  	_ =	shalt  }
0x53: {  	_ =	shalt  }
0x54: {  	_ =	shalt  }
0x55: {  	_ =	shalt  }
0x56: {  	_ =	shalt  }
0x57: {  	_ =	shalt  }
0x58: {  	_ =	shalt  }
0x59: {  	_ =	shalt  }
0x5a: {  	_ =	shalt  }
0x5b: {  	_ =	shalt  }
0x5c: {  	_ =	shalt  }
0x5d: {  	_ =	shalt  }
0x5e: {  	_ =	shalt  }
0x5f: {  	_ =	shalt  }
0x60: {  	_ =	shalt  }
0x61: {  	_ =	shalt  }
0x62: {  	_ =	shalt  }
0x63: {  	_ =	shalt  }
0x64: {  	_ =	shalt  }
0x65: {  	_ =	shalt  }
0x66: {  	_ =	shalt  }
0x67: {  	_ =	shalt  }
0x68: {  	_ =	shalt  }
0x69: {  	_ =	shalt  }
0x6a: {  	_ =	shalt  }
0x6b: {  	_ =	shalt  }
0x6c: {  	_ =	shalt  }
0x6d: {  	_ =	shalt  }
0x6e: {  	_ =	shalt  }
0x6f: {  	_ =	shalt  }
0x70: {  	_ =	shalt  }
0x71: {  	_ =	shalt  }
0x72: {  	_ =	shalt  }
0x73: {  	_ =	shalt  }
0x74: {  	_ =	shalt  }
0x75: {  	_ =	shalt  }
0x76: {  	_ =	shalt  }
0x77: {  	_ =	shalt  }
0x78: {  	_ =	shalt  }
0x79: {  	_ =	shalt  }
0x7a: {  	_ =	shalt  }
0x7b: {  	_ =	shalt  }
0x7c: {  	_ =	shalt  }
0x7d: {  	_ =	shalt  }
0x7e: {  	_ =	shalt  }
0x7f: {  	_ =	shalt  }
0x80: {  	_ =	shalt  }
0x81: {  	_ =	shalt  }
0x82: {  	_ =	shalt  }
0x83: {  	_ =	shalt  }
0x84: {  	_ =	shalt  }
0x85: {  	_ =	shalt  }
0x86: {  	_ =	shalt  }
0x87: {  	_ =	shalt  }
.Lfunc_end0:
.L_simem_size_0:
called_computation_lowered:
.L_overlay_start_0:
0x88: {  	s2 =	sld [smem:$0x3FD9]  }
0x89: {  	s3 =	sld [smem:$0x3FFE];
	_ =	sdelay $0x1  }
0x8a: {  	s1 =	srdreg.scid  }
0x8b: {  	s0 =	sand.u32 $0x1, s1  }
0x8c: {  	s17 =	sshll.u32 s0, $0xA;
	s2 =	sadd.s32 s3, s2  }
0x8d: {  	s2 =	sadd.s32 s2, s17  }
0x8e: {  	[smem:$0x3FC0] =	sst s2  }
0x8f: {  	_ = 	snop  }
0x90: {  	s2 =	sld [smem:$0x3FC9];
	(tm) =	ssettm $0x1  }
0x91: {  	s18 =	sld [smem:$0x3FFB];
	_ =	sdelay $0x3  }
0x92: {  	_ =	strace s18  }
0x93: {  	s3 =	sld [smem:$0x3FFC];
	_ =	sdelay $0x3  }
0x94: {  	_ =	strace s3  }
0x95: {  	s3 =	sld [smem:$0x3FFD];
	_ =	sdelay $0x3  }
0x96: {  	_ =	strace s3  }
0x97: {  	_ =	strace $0x8FFFFFFF  }
0x98: {  	s19 =	sld [smem:$0x3FDB];
	_ =	sdelay $0x1  }
0x99: {  	s4 =	simm.s32 $_scs_section_size  }
0x9a: {  	s5 =	simm.s32 $_size__tile_overlayer_lowered;
	s6 =	simm.s32 $_tile_overlayer_lowered  }
0x9b: {  	s22 =	simm.s32 $0x1BFF;
	s21 =	sshll.u32 s6, $0x1;
	s3 =	sadd.s32 s4, s19  }
0x9c: {  	s7 =	simm.s32 $0x0;
	s20 =	sshll.u32 s5, $0x1;
	s5 =	sadd.s32 s21, s3  }
0x9d: {  	[timem:s7], [sflag:s22] =	dma.local [hbm:s5], s20  }
0x9e: {  	_ =	swait.ge [sflag:s22], s20  }
0x9f: {  	s4 =	ssub.s32 $0x0, s20;
	[sflag:s22] =	ssyncset.done $0x0  }
0xa0: {  	[sflag:s22] =	ssyncadd.s32 s4;
	_ =	sdelay $0x1  }
0xa1: {  	s23 =	simm.s32 $0x1B8B  }
0xa2: {  	_ =	swait.ge [sflag:s23], $0x1  }
0xa3: {  	[sflag:s23] =	ssyncset.done $0x0  }
0xa4: {  	s25 =	simm.s32 $0x1B8E;
	s24 =	sld [smem:$0x3FFE];
	[sflag:s23] =	ssyncadd.s32 $0xFFFFFFFF  }
0xa5: {  	s26 =	simm.s32 $execute0_lowered;
	[smem:$0x3FD2] =	sst s25  }
0xa6: {  	s5 =	sshll.u32 s26, $0x1;
	_ =	strace $0x80000046;
	[dreg:$0x1] =	wrdreg $0xFFFFFFFF  }
0xa7: {  	s28 =	simm.s32 $_size_execute0_lowered;
	s3 =	sadd.s32 s3, s5;
	[dreg:$0x0] =	wrdreg $0x0  }
0xa8: {  	s5 =	sshll.u32 s28, $0x1;
	[dreg:$0x2] =	wrdreg s3  }
0xa9: {  	[dreg:$0x3] =	wrdreg s5  }
0xaa: {  	[dreg:$0x4] =	wrdreg $0xC0  }
0xab: {  	_ =	task [dreg:s7], $0x5FFFF  }
0xac: {  	[dreg:$0x1] =	wrdreg $0xFFFFFFFF  }
0xad: {  	[dreg:$0x0] =	wrdreg $0x60  }
0xae: {  	[dreg:$0x2] =	wrdreg s2  }
0xaf: {  	[dreg:$0x3] =	wrdreg s24  }
0xb0: {  	[dreg:$0x4] =	wrdreg $0x9  }
0xb1: {  	_ =	task.clear_ibuf [dreg:s7], $0x5FFFF;
	_ =	strace $0x90000046  }
0xb2: {  	s29 =	simm.s32 $0x9;
	_ =	strace $0x80000048  }
0xb3: {  	_ =	swait.ge [sflag:s29], $0x1  }
0xb4: {  	[sflag:s29] =	ssyncadd.s32 $0xFFFFFFFF  }
0xb5: {  	_ =	strace $0x90000048  }
0xb6: {  	_ =	sfence  }
0xb7: {  	s30 =	sld [smem:$0x0];
	_ =	sdelay $0x2  }
0xb8: {  	s31 =	sshll.u32 s1, $0xD;
	s1 =	sshrl.u32 s1, $0x2  }
0xb9: {  	s3 =	sand.u32 $0x4000, s31;
	s1 =	sadd.s32 s1, s30  }
0xba: {  	s0 =	sor.u32 s3, s0;
	s1 =	sshll.u32 s1, $0x11  }
0xbb: {  	s0 =	sor.u32 s1, s0  }
0xbc: {  	s0 =	sadd.s32 $0x8F2B, s0  }
0xbd: {  	[sflag:s0] =	ssyncadd.remote.s32 $0x1  }
0xbe: {  	_ =	sfence.sel $0xFFFF  }
0xbf: {  	[dreg:$0x0] =	wrdreg $0xFFFFFFFF;
	(pc) =	sbr.abs _section_cstart, $3  }
0xc0: {  	[dreg:$0x1] =	wrdreg $0xFFFFFFFF  }
0xc1: {  	_ =	task.clear_ibuf [dreg:s7], $0x2FFFF;
	_ =	strace $0x9FFFFFFF  }
0xc2: {  	(tm) =	ssettm $0x7FFFFFFF  }
0xc3: {  	_ =	shalt  }
tec
execute0_lowered:
.L_overlay_start_1:
0x0: {  	(tag) =	ssettag $0x1  }
0x1: {  	s3 =	rddreg [dreg:$0x0];
	s1 =	srdreg.scid  }
0x2: {  	s0 =	stileid.u32;
	s4 =	rddreg [dreg:$0x1];
	s9 =	simm.s32 $0x6400  }
0x3: {  	s10 =	simm.s32 $0x2;
	s11 =	simm.s32 $0x80;
	s12 =	simm.s32 $0x400  }
0x4: {  	s13 =	simm.s32 $0x3;
	s14 =	simm.s32 $0x0;
	s5 =	sand.u32 $0x1, s1  }
0x5: {  	s2 =	sshll.u32 s0, $0x1;
	s1 =	rddreg [dreg:$0x2];
	s7 =	sshrl.u32 s0, $0x2  }
0x6: {  	s6 =	sor.u32 s5, s2;
	s2 =	simm.s32 $0x0;
	s7 =	smul.u32 $0x60000, s7  }
0x7: {  	s5 =	ssub.s32 $0x2, s5;
	s8 =	sshll.u32 s6, $0x7;
	[smem:$0x7FF] =	sst s2  }
0x8: {  	s6 =	smul.u32 $0x6400, s6;
	s30 =	sshrl.u32 s5, $0x1;
	s8 =	sand.u32 $0x380, s8  }
0x9: {  	_ =	strace $0x80000047;
	s31 =	ssub.s32 s5, s30;
	s7 =	sor.u32 s7, s8  }
0xa: {  	s6 =	sshrl.u32 s6, $0x3;
	s8 =	simm.s32 $0x1;
	s7 =	sshrl.u32 s7, $0x3  }
0xb: {  	s3 =	sadd.s32 s3, s6;
	s6 =	smax.u32 s31, $0x1;
	s7 =	sadd.s32 s7, s4  }
0xc: {  	v0 =	vimm.f32 $0.0e+00;
	v1 =	vimm.f32 $1.000000000e+00;
	s4 =	sadd.s32 $0x640, s3;
	s5 =	sadd.s32 $0x1000, s7;
	s7 =	simm.s32 $0x3200  }
.LBB2_1:
0xd: {  	[tilespmem:s2], [sflag:$0x1] =	stream.linear.gather [hbm4b:s3+s2], $0x3200, $0x38;
	[tilespmem:$0x12400] =	vst v63  }
0xe: {  	s15 =	simm.s32 $0x0;
	s16 =	simm.s32 $0x200  }
0xf: {  	[tilespmem:s7], [sflag:$0x2] =	stream.linear.gather [hbm4b:s4+s2], $0x3200, $0x38;
	[tilespmem:$0x12400] =	vst v63  }
.LBB2_2:
0x10: {  	p0 =	sne.s32 s16, $0x2FE00;
	[tilespmem:s15+$0x6470] =	vst v0  }
0x11: {  	[tilespmem:s15+$0x6400] =	vst v0  }
0x12: {  	[tilespmem:s15+$0x6410] =	vst v0  }
.Ltmp0:
0x13: {  	[tilespmem:s15+$0x6420] =	vst v0;
	(pc) =	sbr.rel @p0 .LBB2_2-.Ltmp0, $4  }
0x14: {  	[tilespmem:s15+$0x6430] =	vst v0  }
0x15: {  	[tilespmem:s15+$0x6440] =	vst v0  }
0x16: {  	[tilespmem:s15+$0x6450] =	vst v0  }
0x17: {  	[tilespmem:s15+$0x6460] =	vst v0;
	s15 =	sshra.s32 s16, $0x2;
	s16 =	sadd.s32 $0x200, s16  }
0x18: {  	[tilespmem:s15+$0x6470] =	vst v0  }
0x19: {  	[tilespmem:s15+$0x6400] =	vst v0  }
0x1a: {  	[tilespmem:s15+$0x6410] =	vst v0  }
0x1b: {  	[tilespmem:s15+$0x6420] =	vst v0  }
0x1c: {  	[tilespmem:s15+$0x6430] =	vst v0  }
0x1d: {  	[tilespmem:s15+$0x6440] =	vst v0  }
0x1e: {  	[tilespmem:s15+$0x6450] =	vst v0  }
0x1f: {  	[tilespmem:s15+$0x6460] =	vst v0  }
0x20: {  	_ =	swait.ge [sflag:s8], $0x3200  }
0x21: {  	[sflag:s8] =	ssyncset.done $0x0  }
0x22: {  	[sflag:s8] =	ssyncadd.s32 $0xFFFFCE00  }
0x23: {  	v10 =	vld [tilespmem:$0x0]  }
0x24: {  	v12 =	vld [tilespmem:$0x10]  }
0x25: {  	v13 =	vld [tilespmem:$0x20]  }
0x26: {  	v14 =	vld [tilespmem:$0x30]  }
0x27: {  	v15 =	vld [tilespmem:$0x40]  }
0x28: {  	v16 =	vld [tilespmem:$0x50]  }
0x29: {  	v17 =	vld [tilespmem:$0x60]  }
0x2a: {  	s31 =	simm.s32 $0x0;
	v5 =	vld [tilespmem:$0x70]  }
0x2b: {  	v2 =	vld [tilespmem:s31+$0xF0]  }
0x2c: {  	v3 =	vld [tilespmem:s31+$0xE0]  }
0x2d: {  	v4 =	vld [tilespmem:s31+$0xD0]  }
0x2e: {  	v6 =	vld [tilespmem:s31+$0xB0]  }
0x2f: {  	v7 =	vld [tilespmem:s31+$0xA0]  }
0x30: {  	v8 =	vld [tilespmem:s31+$0x90]  }
0x31: {  	v11 =	vld [tilespmem:s31+$0x80]  }
0x32: {  	v9 =	vld [tilespmem:s31+$0xC0]  }
0x33: {  	[tilespmem:v10+s9+$0x0] =	vst.idx.add.f32.msk $0xffff, v1  }
0x34: {  	[tilespmem:v12+s9+$0x0] =	vst.idx.add.f32.msk $0xffff, v1  }
0x35: {  	[tilespmem:v13+s9+$0x0] =	vst.idx.add.f32.msk $0xffff, v1  }
0x36: {  	[tilespmem:v14+s9+$0x0] =	vst.idx.add.f32.msk $0xffff, v1  }
0x37: {  	[tilespmem:v15+s9+$0x0] =	vst.idx.add.f32.msk $0xffff, v1  }
0x38: {  	[tilespmem:v16+s9+$0x0] =	vst.idx.add.f32.msk $0xffff, v1  }
0x39: {  	s15 =	simm.s32 $0x200;
	[tilespmem:v17+s9+$0x0] =	vst.idx.add.f32.msk $0xffff, v1  }
.LBB2_4:
0x3a: {  	s16 =	sshra.s32 s15, $0x2;
	p0 =	sne.s32 s15, $0xC400;
	s15 =	sadd.s32 $0x200, s15;
	[tilespmem:v5+s9+$0x0] =	vst.idx.add.f32.msk $0xffff, v1;
	v5 =	vmovc v2;
	v10 =	vmovc v3;
	v12 =	vmov v4;
	v13 =	vmov v6;
	v14 =	vmov v7  }
0x3b: {  	v15 =	vmov v8;
	v16 =	vmov v11;
	v17 =	vmov v9;
	v2 =	vld [tilespmem:s16+$0xF0]  }
0x3c: {  	v3 =	vld [tilespmem:s16+$0xE0]  }
0x3d: {  	v4 =	vld [tilespmem:s16+$0xD0]  }
0x3e: {  	v6 =	vld [tilespmem:s16+$0xB0]  }
0x3f: {  	v7 =	vld [tilespmem:s16+$0xA0]  }
0x40: {  	v8 =	vld [tilespmem:s16+$0x90]  }
0x41: {  	v11 =	vld [tilespmem:s16+$0x80]  }
0x42: {  	v9 =	vld [tilespmem:s16+$0xC0]  }
0x43: {  	[tilespmem:v16+s9+$0x0] =	vst.idx.add.f32.msk $0xffff, v1  }
0x44: {  	[tilespmem:v15+s9+$0x0] =	vst.idx.add.f32.msk $0xffff, v1  }
.Ltmp1:
0x45: {  	[tilespmem:v14+s9+$0x0] =	vst.idx.add.f32.msk $0xffff, v1;
	(pc) =	sbr.rel @p0 .LBB2_4-.Ltmp1, $4  }
0x46: {  	[tilespmem:v13+s9+$0x0] =	vst.idx.add.f32.msk $0xffff, v1  }
0x47: {  	[tilespmem:v17+s9+$0x0] =	vst.idx.add.f32.msk $0xffff, v1  }
0x48: {  	[tilespmem:v12+s9+$0x0] =	vst.idx.add.f32.msk $0xffff, v1  }
0x49: {  	[tilespmem:v10+s9+$0x0] =	vst.idx.add.f32.msk $0xffff, v1  }
0x4a: {  	_ =	sdelay $0x3  }
0x4b: {  	[tilespmem:v5+s9+$0x0] =	vst.idx.add.f32.msk $0xffff, v1  }
0x4c: {  	_ =	swait.ge [sflag:s10], $0x3200  }
0x4d: {  	[sflag:s10] =	ssyncset.done $0x0  }
0x4e: {  	s15 =	simm.s32 $0x0;
	[sflag:s10] =	ssyncadd.s32 $0xFFFFCE00  }
0x4f: {  	v5 =	vld [tilespmem:s15+$0x3270]  }
0x50: {  	v10 =	vld [tilespmem:s15+$0x3260]  }
0x51: {  	v12 =	vld [tilespmem:s15+$0x3250]  }
0x52: {  	v13 =	vld [tilespmem:s15+$0x3230]  }
0x53: {  	v14 =	vld [tilespmem:s15+$0x3220]  }
0x54: {  	v15 =	vld [tilespmem:s15+$0x3210]  }
0x55: {  	v17 =	vld [tilespmem:s15+$0x3200]  }
0x56: {  	v16 =	vld [tilespmem:s15+$0x3240]  }
0x57: {  	[tilespmem:v11+s9+$0x0] =	vst.idx.add.f32.msk $0xffff, v1  }
0x58: {  	[tilespmem:v8+s9+$0x0] =	vst.idx.add.f32.msk $0xffff, v1  }
0x59: {  	[tilespmem:v7+s9+$0x0] =	vst.idx.add.f32.msk $0xffff, v1  }
0x5a: {  	[tilespmem:v6+s9+$0x0] =	vst.idx.add.f32.msk $0xffff, v1  }
0x5b: {  	[tilespmem:v9+s9+$0x0] =	vst.idx.add.f32.msk $0xffff, v1  }
0x5c: {  	[tilespmem:v4+s9+$0x0] =	vst.idx.add.f32.msk $0xffff, v1  }
0x5d: {  	s15 =	simm.s32 $0x200;
	[tilespmem:v3+s9+$0x0] =	vst.idx.add.f32.msk $0xffff, v1  }
.LBB2_6:
0x5e: {  	s16 =	sshra.s32 s15, $0x2;
	p0 =	sne.s32 s15, $0xC600;
	s15 =	sadd.s32 $0x200, s15;
	[tilespmem:v2+s9+$0x0] =	vst.idx.add.f32.msk $0xffff, v1;
	v2 =	vmovc v5;
	v3 =	vmovc v10;
	v4 =	vmov v12;
	v6 =	vmov v13;
	v7 =	vmov v14  }
0x5f: {  	v8 =	vmov v15;
	v9 =	vmov v17;
	v11 =	vmov v16;
	v5 =	vld [tilespmem:s16+$0x3270]  }
0x60: {  	v10 =	vld [tilespmem:s16+$0x3260]  }
0x61: {  	v12 =	vld [tilespmem:s16+$0x3250]  }
0x62: {  	v13 =	vld [tilespmem:s16+$0x3230]  }
0x63: {  	v14 =	vld [tilespmem:s16+$0x3220]  }
0x64: {  	v15 =	vld [tilespmem:s16+$0x3210]  }
0x65: {  	v17 =	vld [tilespmem:s16+$0x3200]  }
0x66: {  	v16 =	vld [tilespmem:s16+$0x3240]  }
0x67: {  	[tilespmem:v9+s9+$0x0] =	vst.idx.add.f32.msk $0xffff, v1  }
0x68: {  	[tilespmem:v8+s9+$0x0] =	vst.idx.add.f32.msk $0xffff, v1  }
.Ltmp2:
0x69: {  	[tilespmem:v7+s9+$0x0] =	vst.idx.add.f32.msk $0xffff, v1;
	(pc) =	sbr.rel @p0 .LBB2_6-.Ltmp2, $4  }
0x6a: {  	[tilespmem:v6+s9+$0x0] =	vst.idx.add.f32.msk $0xffff, v1  }
0x6b: {  	[tilespmem:v11+s9+$0x0] =	vst.idx.add.f32.msk $0xffff, v1  }
0x6c: {  	[tilespmem:v4+s9+$0x0] =	vst.idx.add.f32.msk $0xffff, v1  }
0x6d: {  	[tilespmem:v3+s9+$0x0] =	vst.idx.add.f32.msk $0xffff, v1  }
0x6e: {  	_ =	sdelay $0x3  }
0x6f: {  	[tilespmem:v2+s9+$0x0] =	vst.idx.add.f32.msk $0xffff, v1  }
0x70: {  	[tilespmem:v17+s9+$0x0] =	vst.idx.add.f32.msk $0xffff, v1  }
0x71: {  	[tilespmem:v15+s9+$0x0] =	vst.idx.add.f32.msk $0xffff, v1  }
0x72: {  	[tilespmem:v14+s9+$0x0] =	vst.idx.add.f32.msk $0xffff, v1  }
0x73: {  	[tilespmem:v13+s9+$0x0] =	vst.idx.add.f32.msk $0xffff, v1  }
0x74: {  	[tilespmem:v16+s9+$0x0] =	vst.idx.add.f32.msk $0xffff, v1  }
0x75: {  	s14 =	sadd.s32 $0x1, s14;
	[tilespmem:v12+s9+$0x0] =	vst.idx.add.f32.msk $0xffff, v1  }
0x76: {  	p0 =	sne.s32 s14, s6;
	[tilespmem:v10+s9+$0x0] =	vst.idx.add.f32.msk $0xffff, v1  }
.Ltmp3:
0x77: {  	[tilespmem:v5+s9+$0x0] =	vst.idx.add.f32.msk $0xffff, v1;
	(pc) =	sbr.rel @p0 .LBB2_1-.Ltmp3, $4  }
0x78: {  	[hbm4b:s5+s11] =	stream.strided.scatter [tilespmem:s9], [sflag:$0x3], $0xC000, s12, s11, $0x38;
	[tilespmem:$0x12400] =	vst v63  }
0x79: {  	_ =	swait.ge [sflag:s13], $0xC000  }
0x7a: {  	[sflag:s13] =	ssyncset.done $0x0  }
0x7b: {  	[sflag:s13] =	ssyncadd.s32 $0xFFFF4000  }
0x7c: {  	_ =	sfence.sel $0x180000  }
0x7d: {  	[bflag:$0x0] =	sbarrier.arrive $0xFFFF  }
0x7e: {  	p0 =	sne.s32 s0, $0x0;
	_ =	strace $0x90000047  }
0x7f: {  	s0 =	sadd.s32 @!p0 $0x100000, s1;
	[bflag:$0x2] =	sbarrier.arrive $0xFFFF  }
0x80: {  	[sflag:s0] =	ssyncadd.tile.s32 @!p0 $0x1;
	_ =	shalt  }
.Lfunc_end2:
_tile_overlayer_lowered:
.L_overlay_start_2:
0x81: {  	(tag) =	ssettag $0x2  }
0x82: {  	s0 =	rddreg [dreg:$0x0];
	s2 =	stileid.u32  }
0x83: {  	s1 =	rddreg [dreg:$0x1];
	p0 =	sne.s32 s2, $0x0  }
0x84: {  	s3 =	rddreg [dreg:$0x2];
	[bflag:$0x3] =	sbarrier.arrive $0xFFFF;
	s2 =	simm.s32 @!p0 $0x1C03  }
0x85: {  	[timem:s3], [sflag:s2] =	dma.local @!p0 [hbm:s0], s1  }
0x86: {  	s0 =	simm.s32 @!p0 $0x3  }
0x87: {  	_ =	swait.ge @!p0 [sflag:s0], s1  }
0x88: {  	s1 =	ssub.s32 @!p0 $0x0, s1;
	[sflag:s0] =	ssyncset.done @!p0 $0x0  }
0x89: {  	[sflag:s0] =	ssyncadd.s32 @!p0 s1  }
0x8a: {  	[bflag:$0x3] =	sbarrier.arrive $0xFFFF  }
0x8b: {  	_ =	shalt  }

</sc_bundles>
